<compile_context>
chip_gen: v7x
topology: tpu7x:2x2x1
jax: 0.10.2.dev20260603
libtpu: 0.0.44.dev20260713+nightly
codegen_flags: <defaults>
</compile_context>

<pallas_src>
import jax
import jax.numpy as jnp
from jax import lax
from jax.experimental import pallas as pl
from jax.experimental.pallas import tpu as pltpu
from jax.experimental.pallas import tpu_sc as plsc

N, D, R, K, P = 10000, 256, 4, 8, 4096
L = 16
NW = 32
ROWS_W = 2 * P // NW
RK = R * K
BKT_W = ROWS_W * R
GB = 128
NGROUP = BKT_W // GB
NBUF = 2
IDX_W = BKT_W * K
ESEC = 256
NESEC = IDX_W // ESEC


def _sc_nbr_body(pairs_hbm, nbr_hbm, out_hbm, pair_v, nbr_v,
                 sem_n, sem_o):
    wid = lax.axis_index("s") * 2 + lax.axis_index("c")
    base = wid * ROWS_W
    pltpu.sync_copy(pairs_hbm.at[pl.ds(base, ROWS_W)], pair_v)
    pltpu.make_async_copy(nbr_hbm.at[pair_v], nbr_v, sem_n).start()
    pltpu.make_async_copy(nbr_hbm.at[pair_v], nbr_v, sem_n).wait()
    pltpu.make_async_copy(nbr_v, out_hbm.at[pl.ds(base, ROWS_W)], sem_o).start()
    pltpu.make_async_copy(nbr_v, out_hbm.at[pl.ds(base, ROWS_W)], sem_o).wait()


@jax.jit
def _sc_nbr_gather(pair_nodes, nbr2d):
    mesh = plsc.VectorSubcoreMesh(core_axis_name="c", subcore_axis_name="s")
    return pl.kernel(
        _sc_nbr_body,
        out_type=jax.ShapeDtypeStruct((2 * P, RK), jnp.int32),
        mesh=mesh,
        compiler_params=pltpu.CompilerParams(use_tc_tiling_on_sc=False),
        scratch_types=[
            pltpu.VMEM((ROWS_W,), jnp.int32),
            pltpu.VMEM((ROWS_W, RK), jnp.int32),
            pltpu.SemaphoreType.DMA,
            pltpu.SemaphoreType.DMA,
        ],
    )(pair_nodes, nbr2d)


def _sc_body(fidx_hbm, nbr1d_hbm, emb_hbm, out_hbm,
             fidx_v, nidx_v, table_sp, accs, gsems, osems, isem, sem_tab):
    cid = lax.axis_index("c")
    sid = lax.axis_index("s")
    wid = sid * 2 + cid
    bkt_base = wid * BKT_W

    tab_rows = N // (NW // 2)
    tab_cp = pltpu.make_async_copy(
        emb_hbm.at[pl.ds(sid * tab_rows, tab_rows)],
        table_sp.at[pl.ds(sid * tab_rows, tab_rows)], sem_tab)
    tab_cp.start()

    pltpu.sync_copy(fidx_hbm.at[pl.ds(wid * IDX_W, IDX_W)], fidx_v)

    def esec_cp(s):
        return pltpu.make_async_copy(
            nbr1d_hbm.at[fidx_v.at[pl.ds(s * ESEC, ESEC)]],
            nidx_v.at[pl.ds(s * ESEC, ESEC)], isem)

    for s in range(NESEC):
        esec_cp(s).start()
    for s in range(NESEC):
        esec_cp(s).wait()

    tab_cp.wait()
    plsc.subcore_barrier()

    def add_cp(g, b, k):
        idx = nidx_v.at[pl.ds((g * K + k) * GB, GB)]
        return pltpu.make_async_copy(table_sp.at[idx], accs[b], gsems[b])

    def out_cp(g, b):
        return pltpu.make_async_copy(
            accs[b], out_hbm.at[pl.ds(bkt_base + g * GB, GB)], osems[b])

    zv = jnp.zeros((2 * L,), jnp.bfloat16)

    def zero(b):
        def zrow(rw, _):
            for cc in range(D // (2 * L)):
                accs[b][rw, pl.ds(cc * 2 * L, 2 * L)] = zv
            return _
        lax.fori_loop(0, GB, zrow, None)

    def fire_adds(g, b):
        for k in range(K):
            idx = nidx_v.at[pl.ds((g * K + k) * GB, GB)]
            pltpu.async_copy(table_sp.at[idx], accs[b], gsems[b], add=True)

    for b in range(NBUF):
        zero(b)
        fire_adds(b, b)

    def step(i, _):
        for b in range(NBUF):
            g = i * NBUF + b
            for k in range(K):
                add_cp(g, b, k).wait()
            out_cp(g, b).start()

            @pl.when(g + NBUF < NGROUP)
            def _():
                out_cp(g, b).wait()
                zero(b)
                fire_adds(g + NBUF, b)
        return _

    lax.fori_loop(0, NGROUP // NBUF, step, None)
    for b in range(NBUF):
        out_cp(NGROUP - NBUF + b, b).wait()


@jax.jit
def _sc_gather_sum(fidx, nbr1d, node_embeds):
    mesh = plsc.VectorSubcoreMesh(core_axis_name="c", subcore_axis_name="s")
    return pl.kernel(
        _sc_body,
        out_type=jax.ShapeDtypeStruct((2 * P * R, D), jnp.bfloat16),
        mesh=mesh,
        compiler_params=pltpu.CompilerParams(use_tc_tiling_on_sc=False),
        scratch_types=[
            pltpu.VMEM((IDX_W,), jnp.int32),
            pltpu.VMEM((IDX_W,), jnp.int32),
            pltpu.VMEM_SHARED((N, D), jnp.bfloat16),
            [pltpu.VMEM((GB, D), jnp.bfloat16) for _ in range(NBUF)],
            [pltpu.SemaphoreType.DMA for _ in range(NBUF)],
            [pltpu.SemaphoreType.DMA for _ in range(NBUF)],
            pltpu.SemaphoreType.DMA,
            pltpu.SemaphoreType.DMA,
        ],
    )(fidx, nbr1d, node_embeds)


def _tc_body(g_ref, w_ref, b_ref, o_ref):
    x = g_ref[:, 0, :] + g_ref[:, 1, :]
    acc = jnp.dot(x, w_ref[...], preferred_element_type=jnp.float32)
    o_ref[...] = jax.nn.sigmoid(acc + b_ref[...])


def _tc_matmul(g3, w_cat, bias):
    blk = 512
    return pl.pallas_call(
        _tc_body,
        grid=(P // blk,),
        in_specs=[
            pl.BlockSpec((blk, 2, R * D), lambda i: (i, 0, 0)),
            pl.BlockSpec((R * D, D), lambda i: (0, 0)),
            pl.BlockSpec((1, D), lambda i: (0, 0)),
        ],
        out_specs=pl.BlockSpec((blk, D), lambda i: (i, 0)),
        out_shape=jax.ShapeDtypeStruct((P, D), jnp.float32),
    )(g3, w_cat, bias)


def _build_fidx():
    import numpy as np
    w = np.arange(NW)[:, None, None, None]
    b = (np.arange(NGROUP)[None, :, None, None] * GB
         + np.arange(GB)[None, None, None, :])
    k = np.arange(K)[None, None, :, None]
    t = w * ROWS_W + b // R
    r = b % R
    return np.broadcast_to(t * RK + r * K + k,
                           (NW, NGROUP, K, GB)).reshape(-1).astype(np.int32)


_FIDX = _build_fidx()


def kernel(node_pairs, node_embeds, node_types, neighbor_data, W_beta_w, W_beta_b):
    del node_types
    pair_nodes = node_pairs.reshape(-1).astype(jnp.int32)
    nbr2d = neighbor_data.reshape(N, RK).astype(jnp.int32)
    nidx = _sc_nbr_gather(pair_nodes, nbr2d).reshape(-1)
    fidx = jnp.asarray(_FIDX)
    g = _sc_gather_sum(fidx, nidx, node_embeds.astype(jnp.bfloat16))
    w_cat = (jnp.transpose(W_beta_w, (0, 2, 1)).reshape(R * D, D)
             * (1.0 / (2 * K * R))).astype(jnp.bfloat16)
    bias = jnp.mean(W_beta_b, axis=0, keepdims=True)
    return _tc_matmul(g.reshape(P, 2, R * D), w_cat, bias)

# --- scband reference (transcript-rebuilt; emitter-appended) ---
"""Pipeline reference for scband-neighbor-influence-module-6305011991197 (READ-ONLY COPY).

The authoritative reference and input builder live on the scoring server;
editing this copy changes nothing except your own understanding.
"""

import jax, jax.numpy as jnp
import numpy as np

N, D, R, K, P = 10000, 256, 4, 8, 4096

def setup_inputs(seed: int = 0):
    key = jax.random.key(seed)
    ks = jax.random.split(key, 6)
    node_pairs = jax.random.randint(ks[0], (P, 2), 0, N)
    node_embeds = jax.random.normal(ks[1], (N, D), dtype=jnp.float32)
    node_types = jax.random.randint(ks[2], (N,), 0, 2)
    neighbor_data = jax.random.randint(ks[3], (N, R, K), 0, N)
    W_beta_w = jax.random.normal(ks[4], (R, D, D), dtype=jnp.float32) / np.sqrt(D)
    W_beta_b = jax.random.normal(ks[5], (R, D), dtype=jnp.float32) * 0.01
    return {"node_pairs": node_pairs, "node_embeds": node_embeds,
            "node_types": node_types, "neighbor_data": neighbor_data,
            "W_beta_w": W_beta_w, "W_beta_b": W_beta_b}

def reference(node_pairs, node_embeds, node_types, neighbor_data, W_beta_w, W_beta_b):
    # Tensorized faithful interpretation of NeighborInfluenceModule.forward:
    # for each pair (i, j):
    #   meso_aggregation(node): h_agg[r] = W_beta[r](mean over neighbors in relation r of node_embeds)
    #   macro_influence: epsilon = sigmoid(mean over relations of h_agg), combined over i and j
    num_pairs = node_pairs.shape[0]
    pair_nodes = node_pairs.reshape(-1)                    # [2P]
    nbr_idx = jnp.take(neighbor_data, pair_nodes, axis=0)  # [2P, R, K] gather
    nbr_emb = jnp.take(node_embeds, nbr_idx, axis=0)       # [2P, R, K, D] gather
    h_r = jnp.mean(nbr_emb, axis=2)                        # [2P, R, D] mean over neighbor set
    # torch Linear: y = x @ W.T + b, W_beta_w[r] is [D_out, D_in]
    h_agg = jnp.einsum('nrd,red->nre', h_r, W_beta_w) + W_beta_b[None, :, :]  # [2P, R, D]
    x_tilde = jnp.mean(h_agg, axis=1)                      # [2P, D] = sum(h_agg.values())/len
    x_tilde = x_tilde.reshape(num_pairs, 2, D).mean(axis=1)  # combine endpoints i, j
    epsilon = jax.nn.sigmoid(x_tilde)                      # [P, D]
    return epsilon

if __name__ == "__main__":
    import jax
    _d = setup_inputs()
    print(jax.jit(kernel)(*tuple(_d.values())))

</pallas_src>

<mosaic_0001>
#map = affine_map<(d0, d1) -> (0)>
#map1 = affine_map<(d0, d1) -> (0, 0)>
module attributes {stable_mosaic.version = 14 : i64} {
  func.func @_sc_nbr_body(%arg0: i32, %arg1: i32, %arg2: memref<8192xi32, #tpu.memory_space<hbm>>, %arg3: memref<10000x32xi32, #tpu.memory_space<hbm>>, %arg4: memref<8192x32xi32, #tpu.memory_space<hbm>>, %arg5: memref<256xi32, #tpu.memory_space<vmem>>, %arg6: memref<256x32xi32, #tpu.memory_space<vmem>>, %arg7: memref<!tpu.dma_semaphore, #tpu.memory_space<semaphore_mem>>, %arg8: memref<!tpu.dma_semaphore, #tpu.memory_space<semaphore_mem>>) attributes {dimension_semantics = [#tpu.dimension_semantics<core_parallel>, #tpu.dimension_semantics<subcore_parallel>], iteration_bounds = array<i64: 2, 16>, scalar_prefetch = 0 : i64, scratch_operands = 4 : i64, tpu.core_type = #tpu.core_type<sc_vector_subcore>, window_params = [{transform_indices = #map}, {transform_indices = #map1}, {transform_indices = #map1}]} {
    %mul3A = arith.constant 2 : i32
    %mul3A_0 = arith.muli %arg1, %mul3A : i32
    %add3A = arith.addi %mul3A_0, %arg0 : i32
    %mul3A_1 = arith.constant 256 : i32
    %mul3A_2 = arith.muli %add3A, %mul3A_1 : i32
    "tpu.region"() ({
      %run_scoped3A = tpu.sem_alloc : memref<!tpu.dma_semaphore, #tpu.memory_space<semaphore_mem>>
      %dma_start3A_15 = tpu.memref_slice %arg2[%mul3A_2] : memref<8192xi32, #tpu.memory_space<hbm>> -> memref<256xi32, #tpu.memory_space<hbm>>
      %dma_start3A_16 = tpu.memref_slice %arg2[%mul3A_2] : memref<8192xi32, #tpu.memory_space<hbm>> -> memref<256xi32, #tpu.memory_space<hbm>>
      tpu.enqueue_dma source(%dma_start3A_16 : memref<256xi32, #tpu.memory_space<hbm>>) target(%arg5 : memref<256xi32, #tpu.memory_space<vmem>>) target_semaphore(%run_scoped3A : memref<!tpu.dma_semaphore, #tpu.memory_space<semaphore_mem>>)
      %dma_wait3A_17 = tpu.memref_slice %arg2[%mul3A_2] : memref<8192xi32, #tpu.memory_space<hbm>> -> memref<256xi32, #tpu.memory_space<hbm>>
      %dma_wait3A_18 = tpu.memref_slice %arg2[%mul3A_2] : memref<8192xi32, #tpu.memory_space<hbm>> -> memref<256xi32, #tpu.memory_space<hbm>>
      tpu.wait_dma2 semaphore(%run_scoped3A : memref<!tpu.dma_semaphore, #tpu.memory_space<semaphore_mem>>) src(%dma_wait3A_18 : memref<256xi32, #tpu.memory_space<hbm>>) dst(%arg5 : memref<256xi32, #tpu.memory_space<vmem>>)
      tpu.yield
    }) : () -> ()
    %dma_start3A = arith.constant 0 : i32
    %dma_start3A_3 = arith.constant 0 : i32
    %dma_start3A_4 = tpu.memref_slice %arg3[%dma_start3A, %dma_start3A_3] : memref<10000x32xi32, #tpu.memory_space<hbm>> -> memref<10000x32xi32, #tpu.memory_space<hbm>>
    tpu.enqueue_indirect_dma source(%dma_start3A_4 : memref<10000x32xi32, #tpu.memory_space<hbm>>) target(%arg6 : memref<256x32xi32, #tpu.memory_space<vmem>>) offsets(%arg5 : memref<256xi32, #tpu.memory_space<vmem>>) semaphore(%arg7 : memref<!tpu.dma_semaphore, #tpu.memory_space<semaphore_mem>>)
    %dma_wait3A = arith.constant 0 : i32
    %dma_wait3A_5 = arith.constant 0 : i32
    %dma_wait3A_6 = tpu.memref_slice %arg3[%dma_wait3A, %dma_wait3A_5] : memref<10000x32xi32, #tpu.memory_space<hbm>> -> memref<10000x32xi32, #tpu.memory_space<hbm>>
    tpu.wait_indirect_dma semaphore(%arg7 : memref<!tpu.dma_semaphore, #tpu.memory_space<semaphore_mem>>) src(%dma_wait3A_6 : memref<10000x32xi32, #tpu.memory_space<hbm>>) dst(%arg6 : memref<256x32xi32, #tpu.memory_space<vmem>>)
    %dma_start3A_7 = arith.constant 0 : i32
    %dma_start3A_8 = tpu.memref_slice %arg4[%mul3A_2, %dma_start3A_7] : memref<8192x32xi32, #tpu.memory_space<hbm>> -> memref<256x32xi32, #tpu.memory_space<hbm>>
    %dma_start3A_9 = arith.constant 0 : i32
    %dma_start3A_10 = tpu.memref_slice %arg4[%mul3A_2, %dma_start3A_9] : memref<8192x32xi32, #tpu.memory_space<hbm>> -> memref<256x32xi32, #tpu.memory_space<hbm>>
    tpu.enqueue_dma source(%arg6 : memref<256x32xi32, #tpu.memory_space<vmem>>) target(%dma_start3A_10 : memref<256x32xi32, #tpu.memory_space<hbm>>) target_semaphore(%arg8 : memref<!tpu.dma_semaphore, #tpu.memory_space<semaphore_mem>>)
    %dma_wait3A_11 = arith.constant 0 : i32
    %dma_wait3A_12 = tpu.memref_slice %arg4[%mul3A_2, %dma_wait3A_11] : memref<8192x32xi32, #tpu.memory_space<hbm>> -> memref<256x32xi32, #tpu.memory_space<hbm>>
    %dma_wait3A_13 = arith.constant 0 : i32
    %dma_wait3A_14 = tpu.memref_slice %arg4[%mul3A_2, %dma_wait3A_13] : memref<8192x32xi32, #tpu.memory_space<hbm>> -> memref<256x32xi32, #tpu.memory_space<hbm>>
    tpu.wait_dma2 semaphore(%arg8 : memref<!tpu.dma_semaphore, #tpu.memory_space<semaphore_mem>>) src(%arg6 : memref<256x32xi32, #tpu.memory_space<vmem>>) dst(%dma_wait3A_14 : memref<256x32xi32, #tpu.memory_space<hbm>>)
    return
  }
}

</mosaic_0001>

<sc_bundles>
// kernel: _sc_nbr_gather.3.cloned.1.call-start
scs
__scs_entry_jumppad:
0x0: {  	(pc) =	sbr.rel $0x88, $3  }
0x1: {  	(tag) =	ssettag $0x0;
	lr =	simm.s32 $0x1  }
0x2: {  	[smem:$0x3F9F] =	sst lr;
	_ =	strace $0xD0000000  }
0x3: {  	_ = 	snop  }
0x4: {  	_ = 	snop  }
0x5: {  	_ = 	snop  }
0x6: {  	_ = 	snop  }
0x7: {  	_ = 	snop  }
__scs_overlays_trampoline_lowered:
0x8: {  	[smem:$0x3FAE] =	sst s0  }
0x9: {  	[smem:$0x3FAF] =	sst s1  }
0xa: {  	[smem:$0x3FB0] =	sst s2  }
0xb: {  	[smem:$0x3FB1] =	sst s3  }
0xc: {  	[smem:$0x3FB2] =	sst s4  }
0xd: {  	[smem:$0x3FB3] =	sst s5  }
0xe: {  	[smem:$0x3FB4] =	sst s6  }
0xf: {  	[smem:$0x3FB5] =	sst s7  }
0x10: {  	[smem:$0x3FB6] =	sst s8  }
0x11: {  	[smem:$0x3FB7] =	sst s9;
	s0 =	simm.s32 @!p0 $0x0  }
0x12: {  	s1 =	sld [smem:$0x3F9D];
	s0 =	simm.s32 @p0 $0x1  }
0x13: {  	[smem:$0x3FB8] =	sst s0;
	s0 =	simm.s32 @!p1 $0x0  }
0x14: {  	s2 =	sld [smem:$0x3F9C];
	s0 =	simm.s32 @p1 $0x1  }
0x15: {  	[smem:$0x3FB9] =	sst s0;
	s0 =	simm.s32 @!p2 $0x0  }
0x16: {  	s3 =	sld [smem:$0x3FDB];
	s0 =	simm.s32 @p2 $0x1  }
0x17: {  	s4 =	simm.s32 $0x1BF5;
	[smem:$0x3FBB] =	sst s0  }
0x18: {  	s0 =	sld [smem:$0x3F9E];
	_ =	swait.ge [sflag:s4], $0x0  }
0x19: {  	s7 =	sld [smem:$0x3F9F]  }
0x1a: {  	s8 =	sadd.s32 $0xFFFFE003, lr  }
0x1b: {  	s9 =	sadd.s32 $0xFFFFFEF7, lr;
	s5 =	simm.s32 $0xFFFFFFFF;
	p2 =	slt.u32 s8, $0xFFFFF086  }
0x1c: {  	p1 =	slt.u32 s9, $0xF7A;
	s5 =	simm.s32 @!p2 $0x0  }
0x1d: {  	s5 =	simm.s32 @p1 $0x1;
	p0 =	seq.s32 s7, s2  }
0x1e: {  	s7 =	smul.u32 @!p0 $0xF7A, s2;
	p2 =	seq.s32 @!p0 s5, $0x0  }
0x1f: {  	s9 =	smul.u32 $0xF7A, s1;
	s8 =	simm.s32 @!p0 $0x1BF5;
	p2 =	por !p2, p0  }
0x20: {  	[sflag:s8] =	ssyncset.s32 @!p0 $0xFFFFF086;
	s6 =	sadd.s32 @!p0 s3, s7;
	s7 =	simm.s32 @!p0 $0x108  }
0x21: {  	s3 =	sadd.s32 s3, s9;
	s6 =	sadd.s32 @!p0 $0x88, s6;
	s7 =	simm.s32 @p2 $0x1082  }
0x22: {  	[simem:s7], [sflag:s8] =	dma.local @!p0 [hbm:s6], $0xF7A  }
0x23: {  	s9 =	sor.u32 $0xD0000000, s2;
	s6 =	simm.s32 $0x108;
	_ =	swait.ge @!p0 [sflag:s8], $0x0  }
0x24: {  	s3 =	sadd.s32 $0x88, s3;
	s6 =	simm.s32 @!p1 $0x1082;
	[sflag:s4] =	ssyncset.s32 $0xFFFFF086  }
0x25: {  	[simem:s6], [sflag:s4] =	dma.local [hbm:s3], $0xF7A  }
0x26: {  	[smem:$0x3F9F] =	sst s1;
	(tag) =	ssettag s2;
	_ =	strace s9  }
0x27: {  	s1 =	sld [smem:$0x3FAF]  }
0x28: {  	s2 =	sld [smem:$0x3FB0]  }
0x29: {  	s4 =	sld [smem:$0x3FB2]  }
0x2a: {  	p0 =	seq.s32 s5, $0x0;
	s5 =	sld [smem:$0x3FB3]  }
0x2b: {  	s6 =	sld [smem:$0x3FB4]  }
0x2c: {  	s7 =	sld [smem:$0x3FB5]  }
0x2d: {  	s3 =	simm.s32 $0x108;
	s8 =	sld [smem:$0x3FB6]  }
0x2e: {  	s3 =	simm.s32 @!p0 $0x1082;
	s9 =	sld [smem:$0x3FB7]  }
0x2f: {  	lr =	sadd.s32 s0, s3;
	s0 =	sld [smem:$0x3FAE]  }
0x30: {  	s3 =	sld [smem:$0x3FB1]  }
0x31: {  	[smem:$0x3FBA] =	sst s10  }
0x32: {  	s10 =	sld [smem:$0x3FB8];
	_ =	sdelay $0x3  }
0x33: {  	p0 =	seq.s32 s10, $0x1;
	s10 =	sld [smem:$0x3FBA];
	_ =	sdelay $0x3  }
0x34: {  	[smem:$0x3FBA] =	sst s10  }
0x35: {  	s10 =	sld [smem:$0x3FB9];
	_ =	sdelay $0x3  }
0x36: {  	p1 =	seq.s32 s10, $0x1;
	s10 =	sld [smem:$0x3FBA];
	_ =	sdelay $0x3  }
0x37: {  	[smem:$0x3FBA] =	sst s10  }
0x38: {  	s10 =	sld [smem:$0x3FBB]  }
0x39: {  	_ = 	snop;
	(pc) =	sbr.ind lr, $3  }
0x3a: {  	_ = 	snop  }
0x3b: {  	_ = 	snop  }
0x3c: {  	p2 =	seq.s32 s10, $0x1;
	s10 =	sld [smem:$0x3FBA]  }
0x3d: {  	_ =	shalt  }
0x3e: {  	_ =	shalt  }
0x3f: {  	_ =	shalt  }
0x40: {  	_ =	shalt  }
0x41: {  	_ =	shalt  }
0x42: {  	_ =	shalt  }
0x43: {  	_ =	shalt  }
0x44: {  	_ =	shalt  }
0x45: {  	_ =	shalt  }
0x46: {  	_ =	shalt  }
0x47: {  	_ =	shalt  }
0x48: {  	_ =	shalt  }
0x49: {  	_ =	shalt  }
0x4a: {  	_ =	shalt  }
0x4b: {  	_ =	shalt  }
0x4c: {  	_ =	shalt  }
0x4d: {  	_ =	shalt  }
0x4e: {  	_ =	shalt  }
0x4f: {  	_ =	shalt  }
0x50: {  	_ =	shalt  }
0x51: {  	_ =	shalt  }
0x52: {  	_ =	shalt  }
0x53: {  	_ =	shalt  }
0x54: {  	_ =	shalt  }
0x55: {  	_ =	shalt  }
0x56: {  	_ =	shalt  }
0x57: {  	_ =	shalt  }
0x58: {  	_ =	shalt  }
0x59: {  	_ =	shalt  }
0x5a: {  	_ =	shalt  }
0x5b: {  	_ =	shalt  }
0x5c: {  	_ =	shalt  }
0x5d: {  	_ =	shalt  }
0x5e: {  	_ =	shalt  }
0x5f: {  	_ =	shalt  }
0x60: {  	_ =	shalt  }
0x61: {  	_ =	shalt  }
0x62: {  	_ =	shalt  }
0x63: {  	_ =	shalt  }
0x64: {  	_ =	shalt  }
0x65: {  	_ =	shalt  }
0x66: {  	_ =	shalt  }
0x67: {  	_ =	shalt  }
0x68: {  	_ =	shalt  }
0x69: {  	_ =	shalt  }
0x6a: {  	_ =	shalt  }
0x6b: {  	_ =	shalt  }
0x6c: {  	_ =	shalt  }
0x6d: {  	_ =	shalt  }
0x6e: {  	_ =	shalt  }
0x6f: {  	_ =	shalt  }
0x70: {  	_ =	shalt  }
0x71: {  	_ =	shalt  }
0x72: {  	_ =	shalt  }
0x73: {  	_ =	shalt  }
0x74: {  	_ =	shalt  }
0x75: {  	_ =	shalt  }
0x76: {  	_ =	shalt  }
0x77: {  	_ =	shalt  }
0x78: {  	_ =	shalt  }
0x79: {  	_ =	shalt  }
0x7a: {  	_ =	shalt  }
0x7b: {  	_ =	shalt  }
0x7c: {  	_ =	shalt  }
0x7d: {  	_ =	shalt  }
0x7e: {  	_ =	shalt  }
0x7f: {  	_ =	shalt  }
0x80: {  	_ =	shalt  }
0x81: {  	_ =	shalt  }
0x82: {  	_ =	shalt  }
0x83: {  	_ =	shalt  }
0x84: {  	_ =	shalt  }
0x85: {  	_ =	shalt  }
0x86: {  	_ =	shalt  }
0x87: {  	_ =	shalt  }
.Lfunc_end0:
.L_simem_size_0:
called_computation_lowered:
.L_overlay_start_0:
0x88: {  	s2 =	sld [smem:$0x3FD9]  }
0x89: {  	s3 =	sld [smem:$0x3FFE];
	_ =	sdelay $0x1  }
0x8a: {  	s1 =	srdreg.scid  }
0x8b: {  	s0 =	sand.u32 $0x1, s1  }
0x8c: {  	s17 =	sshll.u32 s0, $0xA;
	s2 =	sadd.s32 s3, s2  }
0x8d: {  	s2 =	sadd.s32 s2, s17  }
0x8e: {  	[smem:$0x3FC6] =	sst s2  }
0x8f: {  	_ = 	snop  }
0x90: {  	s2 =	sld [smem:$0x3FC9]  }
0x91: {  	s18 =	sld [smem:$0x3FD0];
	(tm) =	ssettm $0x1  }
0x92: {  	s4 =	sld [smem:$0x3FFB];
	_ =	sdelay $0x3  }
0x93: {  	_ =	strace s4  }
0x94: {  	s4 =	sld [smem:$0x3FFC];
	_ =	sdelay $0x3  }
0x95: {  	_ =	strace s4  }
0x96: {  	s4 =	sld [smem:$0x3FFD];
	_ =	sdelay $0x3  }
0x97: {  	_ =	strace s4  }
0x98: {  	_ =	strace $0x8FFFFFFF  }
0x99: {  	s19 =	sld [smem:$0x3FDB];
	_ =	sdelay $0x1  }
0x9a: {  	s5 =	simm.s32 $_scs_section_size  }
0x9b: {  	s6 =	simm.s32 $_size__tile_overlayer_lowered;
	s7 =	simm.s32 $_tile_overlayer_lowered  }
0x9c: {  	s22 =	simm.s32 $0x1BFF;
	s21 =	sshll.u32 s7, $0x1;
	s4 =	sadd.s32 s5, s19  }
0x9d: {  	s8 =	simm.s32 $0x0;
	s20 =	sshll.u32 s6, $0x1;
	s6 =	sadd.s32 s21, s4  }
0x9e: {  	[timem:s8], [sflag:s22] =	dma.local [hbm:s6], s20  }
0x9f: {  	_ =	swait.ge [sflag:s22], s20  }
0xa0: {  	s5 =	ssub.s32 $0x0, s20;
	[sflag:s22] =	ssyncset.done $0x0  }
0xa1: {  	[sflag:s22] =	ssyncadd.s32 s5;
	_ =	sdelay $0x1  }
0xa2: {  	s23 =	simm.s32 $0x1B8B  }
0xa3: {  	_ =	swait.ge [sflag:s23], $0x1  }
0xa4: {  	[sflag:s23] =	ssyncset.done $0x0  }
0xa5: {  	s25 =	simm.s32 $0x1B8E;
	s24 =	sld [smem:$0x3FFE];
	[sflag:s23] =	ssyncadd.s32 $0xFFFFFFFF  }
0xa6: {  	s26 =	simm.s32 $execute0_lowered;
	[smem:$0x3FD2] =	sst s25  }
0xa7: {  	s6 =	sshll.u32 s26, $0x1;
	_ =	strace $0x80000046;
	[dreg:$0x1] =	wrdreg $0xFFFFFFFF  }
0xa8: {  	s28 =	simm.s32 $_size_execute0_lowered;
	s4 =	sadd.s32 s4, s6;
	[dreg:$0x0] =	wrdreg $0x0  }
0xa9: {  	s6 =	sshll.u32 s28, $0x1;
	[dreg:$0x2] =	wrdreg s4  }
0xaa: {  	[dreg:$0x3] =	wrdreg s6  }
0xab: {  	[dreg:$0x4] =	wrdreg $0xC0  }
0xac: {  	_ =	task [dreg:s8], $0x5FFFF  }
0xad: {  	[dreg:$0x1] =	wrdreg $0xFFFFFFFF  }
0xae: {  	[dreg:$0x0] =	wrdreg $0x60  }
0xaf: {  	[dreg:$0x2] =	wrdreg s2  }
0xb0: {  	[dreg:$0x3] =	wrdreg s24  }
0xb1: {  	[dreg:$0x4] =	wrdreg s18  }
0xb2: {  	[dreg:$0x5] =	wrdreg $0x9  }
0xb3: {  	_ =	task.clear_ibuf [dreg:s8], $0x6FFFF;
	_ =	strace $0x90000046  }
0xb4: {  	s29 =	simm.s32 $0x9;
	_ =	strace $0x80000048  }
0xb5: {  	_ =	swait.ge [sflag:s29], $0x1  }
0xb6: {  	[sflag:s29] =	ssyncadd.s32 $0xFFFFFFFF  }
0xb7: {  	_ =	strace $0x90000048  }
0xb8: {  	_ =	sfence  }
0xb9: {  	s30 =	sld [smem:$0x0];
	_ =	sdelay $0x2  }
0xba: {  	s31 =	sshll.u32 s1, $0xD;
	s1 =	sshrl.u32 s1, $0x2  }
0xbb: {  	s3 =	sand.u32 $0x4000, s31;
	s1 =	sadd.s32 s1, s30  }
0xbc: {  	s0 =	sor.u32 s3, s0;
	s1 =	sshll.u32 s1, $0x11  }
0xbd: {  	s0 =	sor.u32 s1, s0  }
0xbe: {  	s0 =	sadd.s32 $0x8F2B, s0  }
0xbf: {  	[sflag:s0] =	ssyncadd.remote.s32 $0x1  }
0xc0: {  	_ =	sfence.sel $0xFFFF  }
0xc1: {  	[dreg:$0x0] =	wrdreg $0xFFFFFFFF;
	(pc) =	sbr.abs _section_cstart, $3  }
0xc2: {  	[dreg:$0x1] =	wrdreg $0xFFFFFFFF  }
0xc3: {  	_ =	task.clear_ibuf [dreg:s8], $0x2FFFF;
	_ =	strace $0x9FFFFFFF  }
0xc4: {  	(tm) =	ssettm $0x7FFFFFFF  }
0xc5: {  	_ =	shalt  }
tec
execute0_lowered:
.L_overlay_start_1:
0x0: {  	(tag) =	ssettag $0x1  }
0x1: {  	s3 =	rddreg [dreg:$0x0]  }
0x2: {  	s1 =	srdreg.scid;
	s5 =	rddreg [dreg:$0x1]  }
0x3: {  	s0 =	stileid.u32;
	s8 =	rddreg [dreg:$0x2];
	s6 =	sand.u32 $0x1, s1  }
0x4: {  	s2 =	simm.s32 $0x0;
	s4 =	sshll.u32 s0, $0x9;
	s7 =	sshll.u32 s6, $0x8  }
0x5: {  	[smem:$0x7FF] =	sst s2;
	s9 =	sor.u32 s7, s4  }
0x6: {  	s1 =	rddreg [dreg:$0x3];
	_ =	strace $0x80000047;
	s4 =	sshrl.u32 s9, $0x3  }
0x7: {  	s10 =	ssub.s32 $0x2, s6;
	s3 =	sadd.s32 s3, s4;
	s4 =	simm.s32 $0x3  }
0x8: {  	[tilespmem:s2], [sflag:$0x3] =	stream.linear.gather [hbm4b:s3+s2], $0x100, $0x38;
	[tilespmem:$0x2100] =	vst v63  }
0x9: {  	s5 =	sadd.s32 $0x400, s5;
	s11 =	sshrl.u32 s10, $0x1;
	_ =	swait.ge [sflag:s4], $0x100  }
0xa: {  	s6 =	simm.s32 $0x100;
	s10 =	ssub.s32 s10, s11;
	[sflag:s4] =	ssyncset.done $0x0  }
0xb: {  	s7 =	simm.s32 $0x1;
	s10 =	smax.u32 s10, $0x1;
	[sflag:s4] =	ssyncadd.s32 $0xFFFFFF00  }
0xc: {  	[tilespmem:s6], [sflag:$0x1] =	stream.indirect.gather [hbm4b:s5+s6], $0x20, s2, s6, $0xb8;
	[tilespmem:$0x2100] =	vst v63  }
0xd: {  	p0 =	sne.s32 s10, $0x1;
	_ =	swait.ge [sflag:s7], $0x2000  }
.Ltmp0:
0xe: {  	s9 =	sshll.u32 s9, $0x2;
	[sflag:s7] =	ssyncset.done $0x0;
	(pc) =	sbr.rel @!p0 .LBB2_2-.Ltmp0, $4  }
0xf: {  	s8 =	sadd.s32 s8, s9;
	s9 =	simm.s32 $0x2;
	[sflag:s7] =	ssyncadd.s32 $0xFFFFE000  }
0x10: {  	[hbm4b:s8+s2] =	stream.linear.scatter [tilespmem:s6], [sflag:$0x2], $0x2000, $0x38;
	[tilespmem:$0x2100] =	vst v63  }
0x11: {  	_ =	swait.ge [sflag:s9], $0x2000  }
0x12: {  	s10 =	sadd.s32 $0xFFFFFFFF, s10;
	[sflag:s9] =	ssyncset.done $0x0  }
.LBB2_1:
0x13: {  	p0 =	sne.s32 s10, $0x1;
	s10 =	sadd.s32 $0xFFFFFFFF, s10;
	[sflag:s9] =	ssyncadd.s32 $0xFFFFE000  }
0x14: {  	[tilespmem:s2], [sflag:$0x3] =	stream.linear.gather [hbm4b:s3+s2], $0x100, $0x38;
	[tilespmem:$0x2100] =	vst v63  }
0x15: {  	_ =	swait.ge [sflag:s4], $0x100  }
0x16: {  	[sflag:s4] =	ssyncset.done $0x0  }
0x17: {  	[sflag:s4] =	ssyncadd.s32 $0xFFFFFF00  }
0x18: {  	[tilespmem:s6], [sflag:$0x1] =	stream.indirect.gather [hbm4b:s5+s6], $0x20, s2, s6, $0xb8;
	[tilespmem:$0x2100] =	vst v63  }
0x19: {  	_ =	swait.ge [sflag:s7], $0x2000  }
.Ltmp1:
0x1a: {  	[sflag:s7] =	ssyncset.done $0x0;
	(pc) =	sbr.rel @p0 .LBB2_1-.Ltmp1, $4  }
0x1b: {  	[sflag:s7] =	ssyncadd.s32 $0xFFFFE000  }
0x1c: {  	[hbm4b:s8+s2] =	stream.linear.scatter [tilespmem:s6], [sflag:$0x2], $0x2000, $0x38;
	[tilespmem:$0x2100] =	vst v63  }
0x1d: {  	_ =	swait.ge [sflag:s9], $0x2000  }
0x1e: {  	[sflag:s9] =	ssyncset.done $0x0  }
.LBB2_2:
0x1f: {  	[sflag:s9] =	ssyncadd.s32 $0xFFFFE000  }
0x20: {  	_ =	sfence.sel $0x180000  }
0x21: {  	[bflag:$0x0] =	sbarrier.arrive $0xFFFF  }
0x22: {  	p0 =	sne.s32 s0, $0x0;
	_ =	strace $0x90000047  }
0x23: {  	s0 =	sadd.s32 @!p0 $0x100000, s1;
	[bflag:$0x2] =	sbarrier.arrive $0xFFFF  }
0x24: {  	[sflag:s0] =	ssyncadd.tile.s32 @!p0 $0x1;
	_ =	shalt  }
.Lfunc_end2:
_tile_overlayer_lowered:
.L_overlay_start_2:
0x25: {  	(tag) =	ssettag $0x2  }
0x26: {  	s0 =	rddreg [dreg:$0x0];
	s2 =	stileid.u32  }
0x27: {  	s1 =	rddreg [dreg:$0x1];
	p0 =	sne.s32 s2, $0x0  }
0x28: {  	s3 =	rddreg [dreg:$0x2];
	[bflag:$0x3] =	sbarrier.arrive $0xFFFF;
	s2 =	simm.s32 @!p0 $0x1C03  }
0x29: {  	[timem:s3], [sflag:s2] =	dma.local @!p0 [hbm:s0], s1  }
0x2a: {  	s0 =	simm.s32 @!p0 $0x3  }
0x2b: {  	_ =	swait.ge @!p0 [sflag:s0], s1  }
0x2c: {  	s1 =	ssub.s32 @!p0 $0x0, s1;
	[sflag:s0] =	ssyncset.done @!p0 $0x0  }
0x2d: {  	[sflag:s0] =	ssyncadd.s32 @!p0 s1  }
0x2e: {  	[bflag:$0x3] =	sbarrier.arrive $0xFFFF  }
0x2f: {  	_ =	shalt  }

</sc_bundles>
